<compile_context>
chip_gen: v7x
topology: tpu7x:2x2x1
jax: 0.10.2.dev20260603
libtpu: 0.0.44.dev20260713+nightly
codegen_flags: <defaults>
</compile_context>

<pallas_src>
import numpy as np
import jax
import jax.numpy as jnp
from jax import lax
from jax.experimental import pallas as pl
from jax.experimental.pallas import tpu as pltpu

_ROT_A = (13, 15, 26, 6)
_ROT_B = (17, 29, 16, 24)
_KS2 = 466688986 ^ 42
_KS = (np.int32(0), np.int32(42), np.int32(_KS2 if _KS2 < 2**31 else _KS2 - 2**32))

_LT = [2.81022636e-08, 3.43273939e-07, -3.5233877e-06, -4.39150654e-06,
       0.00021858087, -0.00125372503, -0.00417768164, 0.246640727, 1.50140941]
_GT = [-0.000200214257, 0.000100950558, 0.00134934322, -0.00367342844,
       0.00573950773, -0.0076224613, 0.00943887047, 1.00167406, 2.83297682]

_LANES = 128
_ROWS = 1600


def _rotl(x, r):
    return lax.bitwise_or(lax.shift_left(x, np.int32(r)),
                          lax.shift_right_logical(x, np.int32(32 - r)))


def _noise_body(theta_ref, out_ref):
    g = pl.program_id(0)
    base = g * np.int32(_ROWS * _LANES)
    r_iota = lax.broadcasted_iota(jnp.int32, (_ROWS, _LANES), 0)
    c_iota = lax.broadcasted_iota(jnp.int32, (_ROWS, _LANES), 1)
    x1 = base + r_iota * np.int32(_LANES) + c_iota + np.int32(42)
    x0 = jnp.zeros((_ROWS, _LANES), jnp.int32)
    for t in range(5):
        for r in (_ROT_A if t % 2 == 0 else _ROT_B):
            x0 = x0 + x1
            x1 = _rotl(x1, r)
            x1 = lax.bitwise_xor(x0, x1)
        x0 = x0 + _KS[(t + 1) % 3]
        x1 = x1 + (_KS[(t + 2) % 3] + np.int32(t + 1))
    bits = lax.bitwise_xor(x0, x1)
    f = lax.bitcast_convert_type(
        lax.bitwise_or(lax.shift_right_logical(bits, np.int32(9)),
                       np.int32(0x3F800000)), jnp.float32) - np.float32(1.0)
    lo = np.float32(-0.9999999403953552)
    span = np.float32(1.9999999403953552)
    u = jnp.maximum(lo, f * span + lo)
    w = -jnp.log1p(-u * u)
    w1 = w - np.float32(2.5)
    w2 = jnp.sqrt(w) - np.float32(3.0)
    p1 = jnp.full((_ROWS, _LANES), _LT[0], jnp.float32)
    for c in _LT[1:]:
        p1 = p1 * w1 + np.float32(c)
    p2 = jnp.full((_ROWS, _LANES), _GT[0], jnp.float32)
    for c in _GT[1:]:
        p2 = p2 * w2 + np.float32(c)
    z = jnp.where(w < np.float32(5.0), p1, p2) * u * np.float32(1.4142135381698608)
    sig = jnp.exp(theta_ref[...])
    a = sig[:, 0:1]
    b = sig[:, 1:2]
    out_ref[:, 0:64] = z[:, 0:64] * a
    out_ref[:, 64:128] = z[:, 64:128] * b


def kernel(concepts, embeddings, thetas_table):
    B, L = concepts.shape
    D = embeddings.shape[-1]
    n = B * L * D
    n_rows = n // _LANES
    grid = n_rows // _ROWS
    thetas = jnp.take(thetas_table[:, 0], concepts, axis=0)
    thetas2 = thetas.reshape(n_rows, 2)
    out2 = pl.pallas_call(
        _noise_body,
        grid=(grid,),
        in_specs=[pl.BlockSpec((_ROWS, 2), lambda i: (i, 0))],
        out_specs=pl.BlockSpec((_ROWS, _LANES), lambda i: (i, 0)),
        out_shape=jax.ShapeDtypeStruct((n_rows, _LANES), jnp.float32),
    )(thetas2)
    return out2.reshape(B, L, D)

# --- scband reference (transcript-rebuilt; emitter-appended) ---
"""Pipeline reference for scband-gaussian-noise-84104049590846 (READ-ONLY COPY).

The authoritative reference and input builder live on the scoring server;
editing this copy changes nothing except your own understanding.
"""

import jax, jax.numpy as jnp
import numpy as np

NUM_CONCEPTS = 1000000
B, L, D = 4096, 200, 64


def setup_inputs(seed: int = 0) -> dict:
    key = jax.random.key(seed)
    k1, k2 = jax.random.split(key, 2)
    concepts = jax.random.randint(k1, (B, L), 0, NUM_CONCEPTS, dtype=jnp.int64 if jax.config.jax_enable_x64 else jnp.int32).astype(jnp.int32)
    embeddings = jax.random.normal(k2, (B, L, D), dtype=jnp.float32)
    # learned parameter: thetas embedding table, initialized to -10 as in torch module
    thetas_table = jnp.full((NUM_CONCEPTS, 1), -10.0, dtype=jnp.float32)
    return {"concepts": concepts, "embeddings": embeddings, "thetas_table": thetas_table}


def reference(concepts, embeddings, thetas_table):
    # thetas = self.thetas_embedding(concepts).squeeze(-1)
    thetas = jnp.take(thetas_table, concepts, axis=0)[..., 0]  # [B, L]
    # sigmas = exp(thetas)
    sigmas = jnp.exp(thetas)
    # std_normal_noise = torch.randn_like(embeddings)
    std_normal_noise = jax.random.normal(jax.random.key(42), embeddings.shape, dtype=embeddings.dtype)
    # scaled_noise = noise * sigmas.unsqueeze(-1)
    scaled_noise = std_normal_noise * sigmas[..., None]
    return scaled_noise

if __name__ == "__main__":
    import jax
    _d = setup_inputs()
    print(jax.jit(kernel)(*tuple(_d.values())))

</pallas_src>

<mosaic_0001>
module attributes {stable_mosaic.version = 14 : i64} {
  func.func @_noise_body(%arg0: i32, %arg1: memref<1600x2xf32, #tpu.memory_space<vmem>>, %arg2: memref<1600x128xf32, #tpu.memory_space<vmem>>) attributes {dimension_semantics = [#tpu.dimension_semantics<arbitrary>], iteration_bounds = array<i64: 256>, scalar_prefetch = 0 : i64, scratch_operands = 0 : i64, tpu.core_type = #tpu.core_type<tc>, window_params = [{transform_indices = @transform_0, window_bounds = array<i64: 1600, 2>}, {transform_indices = @transform_1, window_bounds = array<i64: 1600, 128>}]} {
    %mul3A = arith.constant 204800 : i32
    %mul3A_0 = arith.muli %arg0, %mul3A : i32
    %iota3A = tpu.iota {dimensions = array<i32: 0>} : vector<1600x128xi32>
    %iota3A_1 = tpu.iota {dimensions = array<i32: 1>} : vector<1600x128xi32>
    %mul3A_2 = arith.constant 128 : i32
    %mul3A_3 = vector.broadcast %mul3A_2 : i32 to vector<1600x128xi32>
    %mul3A_4 = arith.muli %iota3A, %mul3A_3 : vector<1600x128xi32>
    %add3A = vector.broadcast %mul3A_0 : i32 to vector<1600x128xi32>
    %add3A_5 = arith.addi %add3A, %mul3A_4 : vector<1600x128xi32>
    %add3A_6 = arith.addi %add3A_5, %iota3A_1 : vector<1600x128xi32>
    %add3A_7 = arith.constant 42 : i32
    %add3A_8 = vector.broadcast %add3A_7 : i32 to vector<1600x128xi32>
    %add3A_9 = arith.addi %add3A_6, %add3A_8 : vector<1600x128xi32>
    %broadcast_in_dim3A = arith.constant 0 : i32
    %broadcast_in_dim3A_10 = vector.broadcast %broadcast_in_dim3A : i32 to vector<1600x128xi32>
    %add3A_11 = arith.addi %broadcast_in_dim3A_10, %add3A_9 : vector<1600x128xi32>
    %shift_left3A = arith.constant 13 : i32
    %shift_left3A_12 = vector.broadcast %shift_left3A : i32 to vector<1600x128xi32>
    %shift_left3A_13 = arith.shli %add3A_9, %shift_left3A_12 : vector<1600x128xi32>
    %shift_right_logical3A = arith.constant 19 : i32
    %shift_right_logical3A_14 = vector.broadcast %shift_right_logical3A : i32 to vector<1600x128xi32>
    %shift_right_logical3A_15 = arith.shrui %add3A_9, %shift_right_logical3A_14 : vector<1600x128xi32>
    %or3A = arith.ori %shift_left3A_13, %shift_right_logical3A_15 : vector<1600x128xi32>
    %xor3A = arith.xori %add3A_11, %or3A : vector<1600x128xi32>
    %add3A_16 = arith.addi %add3A_11, %xor3A : vector<1600x128xi32>
    %shift_left3A_17 = arith.constant 15 : i32
    %shift_left3A_18 = vector.broadcast %shift_left3A_17 : i32 to vector<1600x128xi32>
    %shift_left3A_19 = arith.shli %xor3A, %shift_left3A_18 : vector<1600x128xi32>
    %shift_right_logical3A_20 = arith.constant 17 : i32
    %shift_right_logical3A_21 = vector.broadcast %shift_right_logical3A_20 : i32 to vector<1600x128xi32>
    %shift_right_logical3A_22 = arith.shrui %xor3A, %shift_right_logical3A_21 : vector<1600x128xi32>
    %or3A_23 = arith.ori %shift_left3A_19, %shift_right_logical3A_22 : vector<1600x128xi32>
    %xor3A_24 = arith.xori %add3A_16, %or3A_23 : vector<1600x128xi32>
    %add3A_25 = arith.addi %add3A_16, %xor3A_24 : vector<1600x128xi32>
    %shift_left3A_26 = arith.constant 26 : i32
    %shift_left3A_27 = vector.broadcast %shift_left3A_26 : i32 to vector<1600x128xi32>
    %shift_left3A_28 = arith.shli %xor3A_24, %shift_left3A_27 : vector<1600x128xi32>
    %shift_right_logical3A_29 = arith.constant 6 : i32
    %shift_right_logical3A_30 = vector.broadcast %shift_right_logical3A_29 : i32 to vector<1600x128xi32>
    %shift_right_logical3A_31 = arith.shrui %xor3A_24, %shift_right_logical3A_30 : vector<1600x128xi32>
    %or3A_32 = arith.ori %shift_left3A_28, %shift_right_logical3A_31 : vector<1600x128xi32>
    %xor3A_33 = arith.xori %add3A_25, %or3A_32 : vector<1600x128xi32>
    %add3A_34 = arith.addi %add3A_25, %xor3A_33 : vector<1600x128xi32>
    %shift_left3A_35 = arith.constant 6 : i32
    %shift_left3A_36 = vector.broadcast %shift_left3A_35 : i32 to vector<1600x128xi32>
    %shift_left3A_37 = arith.shli %xor3A_33, %shift_left3A_36 : vector<1600x128xi32>
    %shift_right_logical3A_38 = arith.constant 26 : i32
    %shift_right_logical3A_39 = vector.broadcast %shift_right_logical3A_38 : i32 to vector<1600x128xi32>
    %shift_right_logical3A_40 = arith.shrui %xor3A_33, %shift_right_logical3A_39 : vector<1600x128xi32>
    %or3A_41 = arith.ori %shift_left3A_37, %shift_right_logical3A_40 : vector<1600x128xi32>
    %xor3A_42 = arith.xori %add3A_34, %or3A_41 : vector<1600x128xi32>
    %add3A_43 = arith.constant 42 : i32
    %add3A_44 = vector.broadcast %add3A_43 : i32 to vector<1600x128xi32>
    %add3A_45 = arith.addi %add3A_34, %add3A_44 : vector<1600x128xi32>
    %add3A_46 = arith.constant 466689009 : i32
    %add3A_47 = vector.broadcast %add3A_46 : i32 to vector<1600x128xi32>
    %add3A_48 = arith.addi %xor3A_42, %add3A_47 : vector<1600x128xi32>
    %add3A_49 = arith.addi %add3A_45, %add3A_48 : vector<1600x128xi32>
    %shift_left3A_50 = arith.constant 17 : i32
    %shift_left3A_51 = vector.broadcast %shift_left3A_50 : i32 to vector<1600x128xi32>
    %shift_left3A_52 = arith.shli %add3A_48, %shift_left3A_51 : vector<1600x128xi32>
    %shift_right_logical3A_53 = arith.constant 15 : i32
    %shift_right_logical3A_54 = vector.broadcast %shift_right_logical3A_53 : i32 to vector<1600x128xi32>
    %shift_right_logical3A_55 = arith.shrui %add3A_48, %shift_right_logical3A_54 : vector<1600x128xi32>
    %or3A_56 = arith.ori %shift_left3A_52, %shift_right_logical3A_55 : vector<1600x128xi32>
    %xor3A_57 = arith.xori %add3A_49, %or3A_56 : vector<1600x128xi32>
    %add3A_58 = arith.addi %add3A_49, %xor3A_57 : vector<1600x128xi32>
    %shift_left3A_59 = arith.constant 29 : i32
    %shift_left3A_60 = vector.broadcast %shift_left3A_59 : i32 to vector<1600x128xi32>
    %shift_left3A_61 = arith.shli %xor3A_57, %shift_left3A_60 : vector<1600x128xi32>
    %shift_right_logical3A_62 = arith.constant 3 : i32
    %shift_right_logical3A_63 = vector.broadcast %shift_right_logical3A_62 : i32 to vector<1600x128xi32>
    %shift_right_logical3A_64 = arith.shrui %xor3A_57, %shift_right_logical3A_63 : vector<1600x128xi32>
    %or3A_65 = arith.ori %shift_left3A_61, %shift_right_logical3A_64 : vector<1600x128xi32>
    %xor3A_66 = arith.xori %add3A_58, %or3A_65 : vector<1600x128xi32>
    %add3A_67 = arith.addi %add3A_58, %xor3A_66 : vector<1600x128xi32>
    %shift_left3A_68 = arith.constant 16 : i32
    %shift_left3A_69 = vector.broadcast %shift_left3A_68 : i32 to vector<1600x128xi32>
    %shift_left3A_70 = arith.shli %xor3A_66, %shift_left3A_69 : vector<1600x128xi32>
    %shift_right_logical3A_71 = arith.constant 16 : i32
    %shift_right_logical3A_72 = vector.broadcast %shift_right_logical3A_71 : i32 to vector<1600x128xi32>
    %shift_right_logical3A_73 = arith.shrui %xor3A_66, %shift_right_logical3A_72 : vector<1600x128xi32>
    %or3A_74 = arith.ori %shift_left3A_70, %shift_right_logical3A_73 : vector<1600x128xi32>
    %xor3A_75 = arith.xori %add3A_67, %or3A_74 : vector<1600x128xi32>
    %add3A_76 = arith.addi %add3A_67, %xor3A_75 : vector<1600x128xi32>
    %shift_left3A_77 = arith.constant 24 : i32
    %shift_left3A_78 = vector.broadcast %shift_left3A_77 : i32 to vector<1600x128xi32>
    %shift_left3A_79 = arith.shli %xor3A_75, %shift_left3A_78 : vector<1600x128xi32>
    %shift_right_logical3A_80 = arith.constant 8 : i32
    %shift_right_logical3A_81 = vector.broadcast %shift_right_logical3A_80 : i32 to vector<1600x128xi32>
    %shift_right_logical3A_82 = arith.shrui %xor3A_75, %shift_right_logical3A_81 : vector<1600x128xi32>
    %or3A_83 = arith.ori %shift_left3A_79, %shift_right_logical3A_82 : vector<1600x128xi32>
    %xor3A_84 = arith.xori %add3A_76, %or3A_83 : vector<1600x128xi32>
    %add3A_85 = arith.constant 466689008 : i32
    %add3A_86 = vector.broadcast %add3A_85 : i32 to vector<1600x128xi32>
    %add3A_87 = arith.addi %add3A_76, %add3A_86 : vector<1600x128xi32>
    %add3A_88 = arith.constant 2 : i32
    %add3A_89 = vector.broadcast %add3A_88 : i32 to vector<1600x128xi32>
    %add3A_90 = arith.addi %xor3A_84, %add3A_89 : vector<1600x128xi32>
    %add3A_91 = arith.addi %add3A_87, %add3A_90 : vector<1600x128xi32>
    %shift_left3A_92 = arith.constant 13 : i32
    %shift_left3A_93 = vector.broadcast %shift_left3A_92 : i32 to vector<1600x128xi32>
    %shift_left3A_94 = arith.shli %add3A_90, %shift_left3A_93 : vector<1600x128xi32>
    %shift_right_logical3A_95 = arith.constant 19 : i32
    %shift_right_logical3A_96 = vector.broadcast %shift_right_logical3A_95 : i32 to vector<1600x128xi32>
    %shift_right_logical3A_97 = arith.shrui %add3A_90, %shift_right_logical3A_96 : vector<1600x128xi32>
    %or3A_98 = arith.ori %shift_left3A_94, %shift_right_logical3A_97 : vector<1600x128xi32>
    %xor3A_99 = arith.xori %add3A_91, %or3A_98 : vector<1600x128xi32>
    %add3A_100 = arith.addi %add3A_91, %xor3A_99 : vector<1600x128xi32>
    %shift_left3A_101 = arith.constant 15 : i32
    %shift_left3A_102 = vector.broadcast %shift_left3A_101 : i32 to vector<1600x128xi32>
    %shift_left3A_103 = arith.shli %xor3A_99, %shift_left3A_102 : vector<1600x128xi32>
    %shift_right_logical3A_104 = arith.constant 17 : i32
    %shift_right_logical3A_105 = vector.broadcast %shift_right_logical3A_104 : i32 to vector<1600x128xi32>
    %shift_right_logical3A_106 = arith.shrui %xor3A_99, %shift_right_logical3A_105 : vector<1600x128xi32>
    %or3A_107 = arith.ori %shift_left3A_103, %shift_right_logical3A_106 : vector<1600x128xi32>
    %xor3A_108 = arith.xori %add3A_100, %or3A_107 : vector<1600x128xi32>
    %add3A_109 = arith.addi %add3A_100, %xor3A_108 : vector<1600x128xi32>
    %shift_left3A_110 = arith.constant 26 : i32
    %shift_left3A_111 = vector.broadcast %shift_left3A_110 : i32 to vector<1600x128xi32>
    %shift_left3A_112 = arith.shli %xor3A_108, %shift_left3A_111 : vector<1600x128xi32>
    %shift_right_logical3A_113 = arith.constant 6 : i32
    %shift_right_logical3A_114 = vector.broadcast %shift_right_logical3A_113 : i32 to vector<1600x128xi32>
    %shift_right_logical3A_115 = arith.shrui %xor3A_108, %shift_right_logical3A_114 : vector<1600x128xi32>
    %or3A_116 = arith.ori %shift_left3A_112, %shift_right_logical3A_115 : vector<1600x128xi32>
    %xor3A_117 = arith.xori %add3A_109, %or3A_116 : vector<1600x128xi32>
    %add3A_118 = arith.addi %add3A_109, %xor3A_117 : vector<1600x128xi32>
    %shift_left3A_119 = arith.constant 6 : i32
    %shift_left3A_120 = vector.broadcast %shift_left3A_119 : i32 to vector<1600x128xi32>
    %shift_left3A_121 = arith.shli %xor3A_117, %shift_left3A_120 : vector<1600x128xi32>
    %shift_right_logical3A_122 = arith.constant 26 : i32
    %shift_right_logical3A_123 = vector.broadcast %shift_right_logical3A_122 : i32 to vector<1600x128xi32>
    %shift_right_logical3A_124 = arith.shrui %xor3A_117, %shift_right_logical3A_123 : vector<1600x128xi32>
    %or3A_125 = arith.ori %shift_left3A_121, %shift_right_logical3A_124 : vector<1600x128xi32>
    %xor3A_126 = arith.xori %add3A_118, %or3A_125 : vector<1600x128xi32>
    %add3A_127 = arith.constant 0 : i32
    %add3A_128 = vector.broadcast %add3A_127 : i32 to vector<1600x128xi32>
    %add3A_129 = arith.addi %add3A_118, %add3A_128 : vector<1600x128xi32>
    %add3A_130 = arith.constant 45 : i32
    %add3A_131 = vector.broadcast %add3A_130 : i32 to vector<1600x128xi32>
    %add3A_132 = arith.addi %xor3A_126, %add3A_131 : vector<1600x128xi32>
    %add3A_133 = arith.addi %add3A_129, %add3A_132 : vector<1600x128xi32>
    %shift_left3A_134 = arith.constant 17 : i32
    %shift_left3A_135 = vector.broadcast %shift_left3A_134 : i32 to vector<1600x128xi32>
    %shift_left3A_136 = arith.shli %add3A_132, %shift_left3A_135 : vector<1600x128xi32>
    %shift_right_logical3A_137 = arith.constant 15 : i32
    %shift_right_logical3A_138 = vector.broadcast %shift_right_logical3A_137 : i32 to vector<1600x128xi32>
    %shift_right_logical3A_139 = arith.shrui %add3A_132, %shift_right_logical3A_138 : vector<1600x128xi32>
    %or3A_140 = arith.ori %shift_left3A_136, %shift_right_logical3A_139 : vector<1600x128xi32>
    %xor3A_141 = arith.xori %add3A_133, %or3A_140 : vector<1600x128xi32>
    %add3A_142 = arith.addi %add3A_133, %xor3A_141 : vector<1600x128xi32>
    %shift_left3A_143 = arith.constant 29 : i32
    %shift_left3A_144 = vector.broadcast %shift_left3A_143 : i32 to vector<1600x128xi32>
    %shift_left3A_145 = arith.shli %xor3A_141, %shift_left3A_144 : vector<1600x128xi32>
    %shift_right_logical3A_146 = arith.constant 3 : i32
    %shift_right_logical3A_147 = vector.broadcast %shift_right_logical3A_146 : i32 to vector<1600x128xi32>
    %shift_right_logical3A_148 = arith.shrui %xor3A_141, %shift_right_logical3A_147 : vector<1600x128xi32>
    %or3A_149 = arith.ori %shift_left3A_145, %shift_right_logical3A_148 : vector<1600x128xi32>
    %xor3A_150 = arith.xori %add3A_142, %or3A_149 : vector<1600x128xi32>
    %add3A_151 = arith.addi %add3A_142, %xor3A_150 : vector<1600x128xi32>
    %shift_left3A_152 = arith.constant 16 : i32
    %shift_left3A_153 = vector.broadcast %shift_left3A_152 : i32 to vector<1600x128xi32>
    %shift_left3A_154 = arith.shli %xor3A_150, %shift_left3A_153 : vector<1600x128xi32>
    %shift_right_logical3A_155 = arith.constant 16 : i32
    %shift_right_logical3A_156 = vector.broadcast %shift_right_logical3A_155 : i32 to vector<1600x128xi32>
    %shift_right_logical3A_157 = arith.shrui %xor3A_150, %shift_right_logical3A_156 : vector<1600x128xi32>
    %or3A_158 = arith.ori %shift_left3A_154, %shift_right_logical3A_157 : vector<1600x128xi32>
    %xor3A_159 = arith.xori %add3A_151, %or3A_158 : vector<1600x128xi32>
    %add3A_160 = arith.addi %add3A_151, %xor3A_159 : vector<1600x128xi32>
    %shift_left3A_161 = arith.constant 24 : i32
    %shift_left3A_162 = vector.broadcast %shift_left3A_161 : i32 to vector<1600x128xi32>
    %shift_left3A_163 = arith.shli %xor3A_159, %shift_left3A_162 : vector<1600x128xi32>
    %shift_right_logical3A_164 = arith.constant 8 : i32
    %shift_right_logical3A_165 = vector.broadcast %shift_right_logical3A_164 : i32 to vector<1600x128xi32>
    %shift_right_logical3A_166 = arith.shrui %xor3A_159, %shift_right_logical3A_165 : vector<1600x128xi32>
    %or3A_167 = arith.ori %shift_left3A_163, %shift_right_logical3A_166 : vector<1600x128xi32>
    %xor3A_168 = arith.xori %add3A_160, %or3A_167 : vector<1600x128xi32>
    %add3A_169 = arith.constant 42 : i32
    %add3A_170 = vector.broadcast %add3A_169 : i32 to vector<1600x128xi32>
    %add3A_171 = arith.addi %add3A_160, %add3A_170 : vector<1600x128xi32>
    %add3A_172 = arith.constant 466689012 : i32
    %add3A_173 = vector.broadcast %add3A_172 : i32 to vector<1600x128xi32>
    %add3A_174 = arith.addi %xor3A_168, %add3A_173 : vector<1600x128xi32>
    %add3A_175 = arith.addi %add3A_171, %add3A_174 : vector<1600x128xi32>
    %shift_left3A_176 = arith.constant 13 : i32
    %shift_left3A_177 = vector.broadcast %shift_left3A_176 : i32 to vector<1600x128xi32>
    %shift_left3A_178 = arith.shli %add3A_174, %shift_left3A_177 : vector<1600x128xi32>
    %shift_right_logical3A_179 = arith.constant 19 : i32
    %shift_right_logical3A_180 = vector.broadcast %shift_right_logical3A_179 : i32 to vector<1600x128xi32>
    %shift_right_logical3A_181 = arith.shrui %add3A_174, %shift_right_logical3A_180 : vector<1600x128xi32>
    %or3A_182 = arith.ori %shift_left3A_178, %shift_right_logical3A_181 : vector<1600x128xi32>
    %xor3A_183 = arith.xori %add3A_175, %or3A_182 : vector<1600x128xi32>
    %add3A_184 = arith.addi %add3A_175, %xor3A_183 : vector<1600x128xi32>
    %shift_left3A_185 = arith.constant 15 : i32
    %shift_left3A_186 = vector.broadcast %shift_left3A_185 : i32 to vector<1600x128xi32>
    %shift_left3A_187 = arith.shli %xor3A_183, %shift_left3A_186 : vector<1600x128xi32>
    %shift_right_logical3A_188 = arith.constant 17 : i32
    %shift_right_logical3A_189 = vector.broadcast %shift_right_logical3A_188 : i32 to vector<1600x128xi32>
    %shift_right_logical3A_190 = arith.shrui %xor3A_183, %shift_right_logical3A_189 : vector<1600x128xi32>
    %or3A_191 = arith.ori %shift_left3A_187, %shift_right_logical3A_190 : vector<1600x128xi32>
    %xor3A_192 = arith.xori %add3A_184, %or3A_191 : vector<1600x128xi32>
    %add3A_193 = arith.addi %add3A_184, %xor3A_192 : vector<1600x128xi32>
    %shift_left3A_194 = arith.constant 26 : i32
    %shift_left3A_195 = vector.broadcast %shift_left3A_194 : i32 to vector<1600x128xi32>
    %shift_left3A_196 = arith.shli %xor3A_192, %shift_left3A_195 : vector<1600x128xi32>
    %shift_right_logical3A_197 = arith.constant 6 : i32
    %shift_right_logical3A_198 = vector.broadcast %shift_right_logical3A_197 : i32 to vector<1600x128xi32>
    %shift_right_logical3A_199 = arith.shrui %xor3A_192, %shift_right_logical3A_198 : vector<1600x128xi32>
    %or3A_200 = arith.ori %shift_left3A_196, %shift_right_logical3A_199 : vector<1600x128xi32>
    %xor3A_201 = arith.xori %add3A_193, %or3A_200 : vector<1600x128xi32>
    %add3A_202 = arith.addi %add3A_193, %xor3A_201 : vector<1600x128xi32>
    %shift_left3A_203 = arith.constant 6 : i32
    %shift_left3A_204 = vector.broadcast %shift_left3A_203 : i32 to vector<1600x128xi32>
    %shift_left3A_205 = arith.shli %xor3A_201, %shift_left3A_204 : vector<1600x128xi32>
    %shift_right_logical3A_206 = arith.constant 26 : i32
    %shift_right_logical3A_207 = vector.broadcast %shift_right_logical3A_206 : i32 to vector<1600x128xi32>
    %shift_right_logical3A_208 = arith.shrui %xor3A_201, %shift_right_logical3A_207 : vector<1600x128xi32>
    %or3A_209 = arith.ori %shift_left3A_205, %shift_right_logical3A_208 : vector<1600x128xi32>
    %xor3A_210 = arith.xori %add3A_202, %or3A_209 : vector<1600x128xi32>
    %add3A_211 = arith.constant 466689008 : i32
    %add3A_212 = vector.broadcast %add3A_211 : i32 to vector<1600x128xi32>
    %add3A_213 = arith.addi %add3A_202, %add3A_212 : vector<1600x128xi32>
    %add3A_214 = arith.constant 5 : i32
    %add3A_215 = vector.broadcast %add3A_214 : i32 to vector<1600x128xi32>
    %add3A_216 = arith.addi %xor3A_210, %add3A_215 : vector<1600x128xi32>
    %xor3A_217 = arith.xori %add3A_213, %add3A_216 : vector<1600x128xi32>
    %shift_right_logical3A_218 = arith.constant 9 : i32
    %shift_right_logical3A_219 = vector.broadcast %shift_right_logical3A_218 : i32 to vector<1600x128xi32>
    %shift_right_logical3A_220 = arith.shrui %xor3A_217, %shift_right_logical3A_219 : vector<1600x128xi32>
    %or3A_221 = arith.constant 1065353216 : i32
    %or3A_222 = vector.broadcast %or3A_221 : i32 to vector<1600x128xi32>
    %or3A_223 = arith.ori %shift_right_logical3A_220, %or3A_222 : vector<1600x128xi32>
    %bitcast_convert_type3A = tpu.bitcast %or3A_223 : vector<1600x128xi32> -> vector<1600x128xf32>
    %sub3A = arith.constant 1.000000e+00 : f32
    %sub3A_224 = vector.broadcast %sub3A : f32 to vector<1600x128xf32>
    %sub3A_225 = arith.subf %bitcast_convert_type3A, %sub3A_224 : vector<1600x128xf32>
    %mul3A_226 = arith.constant 2.000000e+00 : f32
    %mul3A_227 = vector.broadcast %mul3A_226 : f32 to vector<1600x128xf32>
    %mul3A_228 = arith.mulf %sub3A_225, %mul3A_227 : vector<1600x128xf32>
    %add3A_229 = arith.constant -0.99999994 : f32
    %add3A_230 = vector.broadcast %add3A_229 : f32 to vector<1600x128xf32>
    %add3A_231 = arith.addf %mul3A_228, %add3A_230 : vector<1600x128xf32>
    %max3A = arith.constant -0.99999994 : f32
    %max3A_232 = vector.broadcast %max3A : f32 to vector<1600x128xf32>
    %max3A_233 = arith.maximumf %max3A_232, %add3A_231 : vector<1600x128xf32>
    %neg3A = arith.constant 0.000000e+00 : f32
    %neg3A_234 = vector.broadcast %neg3A : f32 to vector<1600x128xf32>
    %neg3A_235 = arith.subf %neg3A_234, %max3A_233 : vector<1600x128xf32>
    %mul3A_236 = arith.mulf %neg3A_235, %max3A_233 : vector<1600x128xf32>
    %log1p3A = math.log1p %mul3A_236 : vector<1600x128xf32>
    %neg3A_237 = arith.constant 0.000000e+00 : f32
    %neg3A_238 = vector.broadcast %neg3A_237 : f32 to vector<1600x128xf32>
    %neg3A_239 = arith.subf %neg3A_238, %log1p3A : vector<1600x128xf32>
    %sub3A_240 = arith.constant 2.500000e+00 : f32
    %sub3A_241 = vector.broadcast %sub3A_240 : f32 to vector<1600x128xf32>
    %sub3A_242 = arith.subf %neg3A_239, %sub3A_241 : vector<1600x128xf32>
    %sqrt3A = math.sqrt %neg3A_239 : vector<1600x128xf32>
    %sub3A_243 = arith.constant 3.000000e+00 : f32
    %sub3A_244 = vector.broadcast %sub3A_243 : f32 to vector<1600x128xf32>
    %sub3A_245 = arith.subf %sqrt3A, %sub3A_244 : vector<1600x128xf32>
    %broadcast_in_dim3A_246 = arith.constant 2.81022636E-8 : f32
    %broadcast_in_dim3A_247 = vector.broadcast %broadcast_in_dim3A_246 : f32 to vector<1600x128xf32>
    %mul3A_248 = arith.mulf %broadcast_in_dim3A_247, %sub3A_242 : vector<1600x128xf32>
    %add3A_249 = arith.constant 3.43273939E-7 : f32
    %add3A_250 = vector.broadcast %add3A_249 : f32 to vector<1600x128xf32>
    %add3A_251 = arith.addf %mul3A_248, %add3A_250 : vector<1600x128xf32>
    %mul3A_252 = arith.mulf %add3A_251, %sub3A_242 : vector<1600x128xf32>
    %add3A_253 = arith.constant -3.5233877E-6 : f32
    %add3A_254 = vector.broadcast %add3A_253 : f32 to vector<1600x128xf32>
    %add3A_255 = arith.addf %mul3A_252, %add3A_254 : vector<1600x128xf32>
    %mul3A_256 = arith.mulf %add3A_255, %sub3A_242 : vector<1600x128xf32>
    %add3A_257 = arith.constant -4.39150654E-6 : f32
    %add3A_258 = vector.broadcast %add3A_257 : f32 to vector<1600x128xf32>
    %add3A_259 = arith.addf %mul3A_256, %add3A_258 : vector<1600x128xf32>
    %mul3A_260 = arith.mulf %add3A_259, %sub3A_242 : vector<1600x128xf32>
    %add3A_261 = arith.constant 2.1858087E-4 : f32
    %add3A_262 = vector.broadcast %add3A_261 : f32 to vector<1600x128xf32>
    %add3A_263 = arith.addf %mul3A_260, %add3A_262 : vector<1600x128xf32>
    %mul3A_264 = arith.mulf %add3A_263, %sub3A_242 : vector<1600x128xf32>
    %add3A_265 = arith.constant -0.00125372503 : f32
    %add3A_266 = vector.broadcast %add3A_265 : f32 to vector<1600x128xf32>
    %add3A_267 = arith.addf %mul3A_264, %add3A_266 : vector<1600x128xf32>
    %mul3A_268 = arith.mulf %add3A_267, %sub3A_242 : vector<1600x128xf32>
    %add3A_269 = arith.constant -0.00417768164 : f32
    %add3A_270 = vector.broadcast %add3A_269 : f32 to vector<1600x128xf32>
    %add3A_271 = arith.addf %mul3A_268, %add3A_270 : vector<1600x128xf32>
    %mul3A_272 = arith.mulf %add3A_271, %sub3A_242 : vector<1600x128xf32>
    %add3A_273 = arith.constant 0.246640727 : f32
    %add3A_274 = vector.broadcast %add3A_273 : f32 to vector<1600x128xf32>
    %add3A_275 = arith.addf %mul3A_272, %add3A_274 : vector<1600x128xf32>
    %mul3A_276 = arith.mulf %add3A_275, %sub3A_242 : vector<1600x128xf32>
    %add3A_277 = arith.constant 1.50140941 : f32
    %add3A_278 = vector.broadcast %add3A_277 : f32 to vector<1600x128xf32>
    %add3A_279 = arith.addf %mul3A_276, %add3A_278 : vector<1600x128xf32>
    %broadcast_in_dim3A_280 = arith.constant -2.00214257E-4 : f32
    %broadcast_in_dim3A_281 = vector.broadcast %broadcast_in_dim3A_280 : f32 to vector<1600x128xf32>
    %mul3A_282 = arith.mulf %broadcast_in_dim3A_281, %sub3A_245 : vector<1600x128xf32>
    %add3A_283 = arith.constant 1.00950558E-4 : f32
    %add3A_284 = vector.broadcast %add3A_283 : f32 to vector<1600x128xf32>
    %add3A_285 = arith.addf %mul3A_282, %add3A_284 : vector<1600x128xf32>
    %mul3A_286 = arith.mulf %add3A_285, %sub3A_245 : vector<1600x128xf32>
    %add3A_287 = arith.constant 0.00134934322 : f32
    %add3A_288 = vector.broadcast %add3A_287 : f32 to vector<1600x128xf32>
    %add3A_289 = arith.addf %mul3A_286, %add3A_288 : vector<1600x128xf32>
    %mul3A_290 = arith.mulf %add3A_289, %sub3A_245 : vector<1600x128xf32>
    %add3A_291 = arith.constant -0.00367342844 : f32
    %add3A_292 = vector.broadcast %add3A_291 : f32 to vector<1600x128xf32>
    %add3A_293 = arith.addf %mul3A_290, %add3A_292 : vector<1600x128xf32>
    %mul3A_294 = arith.mulf %add3A_293, %sub3A_245 : vector<1600x128xf32>
    %add3A_295 = arith.constant 0.00573950773 : f32
    %add3A_296 = vector.broadcast %add3A_295 : f32 to vector<1600x128xf32>
    %add3A_297 = arith.addf %mul3A_294, %add3A_296 : vector<1600x128xf32>
    %mul3A_298 = arith.mulf %add3A_297, %sub3A_245 : vector<1600x128xf32>
    %add3A_299 = arith.constant -0.0076224613 : f32
    %add3A_300 = vector.broadcast %add3A_299 : f32 to vector<1600x128xf32>
    %add3A_301 = arith.addf %mul3A_298, %add3A_300 : vector<1600x128xf32>
    %mul3A_302 = arith.mulf %add3A_301, %sub3A_245 : vector<1600x128xf32>
    %add3A_303 = arith.constant 0.00943887047 : f32
    %add3A_304 = vector.broadcast %add3A_303 : f32 to vector<1600x128xf32>
    %add3A_305 = arith.addf %mul3A_302, %add3A_304 : vector<1600x128xf32>
    %mul3A_306 = arith.mulf %add3A_305, %sub3A_245 : vector<1600x128xf32>
    %add3A_307 = arith.constant 1.00167406 : f32
    %add3A_308 = vector.broadcast %add3A_307 : f32 to vector<1600x128xf32>
    %add3A_309 = arith.addf %mul3A_306, %add3A_308 : vector<1600x128xf32>
    %mul3A_310 = arith.mulf %add3A_309, %sub3A_245 : vector<1600x128xf32>
    %add3A_311 = arith.constant 2.83297682 : f32
    %add3A_312 = vector.broadcast %add3A_311 : f32 to vector<1600x128xf32>
    %add3A_313 = arith.addf %mul3A_310, %add3A_312 : vector<1600x128xf32>
    %lt3A = arith.constant 5.000000e+00 : f32
    %lt3A_314 = vector.broadcast %lt3A : f32 to vector<1600x128xf32>
    %lt3A_315 = arith.cmpf olt, %neg3A_239, %lt3A_314 : vector<1600x128xf32>
    %select_n3A = arith.select %lt3A_315, %add3A_279, %add3A_313 : vector<1600x128xi1>, vector<1600x128xf32>
    %mul3A_316 = arith.mulf %select_n3A, %max3A_233 : vector<1600x128xf32>
    %mul3A_317 = arith.constant 1.41421354 : f32
    %mul3A_318 = vector.broadcast %mul3A_317 : f32 to vector<1600x128xf32>
    %mul3A_319 = arith.mulf %mul3A_316, %mul3A_318 : vector<1600x128xf32>
    %get3A = arith.constant 0 : index
    %get3A_320 = arith.constant 0 : index
    %get3A_321 = vector.load %arg1[%get3A, %get3A_320] : memref<1600x2xf32, #tpu.memory_space<vmem>>, vector<1600x2xf32>
    %exp3A = math.exp %get3A_321 : vector<1600x2xf32>
    %slice3A = vector.extract_strided_slice %exp3A {offsets = [0, 0], sizes = [1600, 1], strides = [1, 1]} : vector<1600x2xf32> to vector<1600x1xf32>
    %slice3A_322 = vector.extract_strided_slice %exp3A {offsets = [0, 1], sizes = [1600, 1], strides = [1, 1]} : vector<1600x2xf32> to vector<1600x1xf32>
    %slice3A_323 = vector.extract_strided_slice %mul3A_319 {offsets = [0, 0], sizes = [1600, 64], strides = [1, 1]} : vector<1600x128xf32> to vector<1600x64xf32>
    %mul3A_324 = vector.broadcast %slice3A : vector<1600x1xf32> to vector<1600x64xf32>
    %mul3A_325 = arith.mulf %slice3A_323, %mul3A_324 : vector<1600x64xf32>
    %swap3A = arith.constant 0 : index
    %swap3A_326 = arith.constant 0 : index
    %swap3A_327 = vector.load %arg2[%swap3A, %swap3A_326] : memref<1600x128xf32, #tpu.memory_space<vmem>>, vector<1600x64xf32>
    tpu.vector_store %arg2[%swap3A, %swap3A_326], %mul3A_325 {strides = array<i32>} : memref<1600x128xf32, #tpu.memory_space<vmem>>, vector<1600x64xf32>,
    %slice3A_328 = vector.extract_strided_slice %mul3A_319 {offsets = [0, 64], sizes = [1600, 64], strides = [1, 1]} : vector<1600x128xf32> to vector<1600x64xf32>
    %mul3A_329 = vector.broadcast %slice3A_322 : vector<1600x1xf32> to vector<1600x64xf32>
    %mul3A_330 = arith.mulf %slice3A_328, %mul3A_329 : vector<1600x64xf32>
    %swap3A_331 = arith.constant 0 : index
    %swap3A_332 = arith.constant 64 : index
    %swap3A_333 = vector.load %arg2[%swap3A_331, %swap3A_332] : memref<1600x128xf32, #tpu.memory_space<vmem>>, vector<1600x64xf32>
    tpu.vector_store %arg2[%swap3A_331, %swap3A_332], %mul3A_330 {strides = array<i32>} : memref<1600x128xf32, #tpu.memory_space<vmem>>, vector<1600x64xf32>,
    return
  }
  func.func @transform_0(%arg0: i32) -> (i32, i32) {
    %c0_i32 = arith.constant 0 : i32
    %c0_i32_0 = arith.constant 0 : i32
    return %arg0, %c0_i32 : i32, i32
  }
  func.func @transform_1(%arg0: i32) -> (i32, i32) {
    %c0_i32 = arith.constant 0 : i32
    %c0_i32_0 = arith.constant 0 : i32
    return %arg0, %c0_i32 : i32, i32
  }
}

</mosaic_0001>

<sc_bundles>
// kernel: gather_offload_async_start
scs
__scs_entry_jumppad:
0x0: {  	(pc) =	sbr.rel $0x88, $3  }
0x1: {  	(tag) =	ssettag $0x0;
	lr =	simm.s32 $0x1  }
0x2: {  	[smem:$0x3F9F] =	sst lr;
	_ =	strace $0xD0000000  }
0x3: {  	_ = 	snop  }
0x4: {  	_ = 	snop  }
0x5: {  	_ = 	snop  }
0x6: {  	_ = 	snop  }
0x7: {  	_ = 	snop  }
__scs_overlays_trampoline_lowered:
0x8: {  	[smem:$0x3FAE] =	sst s0  }
0x9: {  	[smem:$0x3FAF] =	sst s1  }
0xa: {  	[smem:$0x3FB0] =	sst s2  }
0xb: {  	[smem:$0x3FB1] =	sst s3  }
0xc: {  	[smem:$0x3FB2] =	sst s4  }
0xd: {  	[smem:$0x3FB3] =	sst s5  }
0xe: {  	[smem:$0x3FB4] =	sst s6  }
0xf: {  	[smem:$0x3FB5] =	sst s7  }
0x10: {  	[smem:$0x3FB6] =	sst s8  }
0x11: {  	[smem:$0x3FB7] =	sst s9;
	s0 =	simm.s32 @!p0 $0x0  }
0x12: {  	s1 =	sld [smem:$0x3F9D];
	s0 =	simm.s32 @p0 $0x1  }
0x13: {  	[smem:$0x3FB8] =	sst s0;
	s0 =	simm.s32 @!p1 $0x0  }
0x14: {  	s2 =	sld [smem:$0x3F9C];
	s0 =	simm.s32 @p1 $0x1  }
0x15: {  	[smem:$0x3FB9] =	sst s0;
	s0 =	simm.s32 @!p2 $0x0  }
0x16: {  	s3 =	sld [smem:$0x3FDB];
	s0 =	simm.s32 @p2 $0x1  }
0x17: {  	s4 =	simm.s32 $0x1BF5;
	[smem:$0x3FBB] =	sst s0  }
0x18: {  	s0 =	sld [smem:$0x3F9E];
	_ =	swait.ge [sflag:s4], $0x0  }
0x19: {  	s7 =	sld [smem:$0x3F9F]  }
0x1a: {  	s8 =	sadd.s32 $0xFFFFE003, lr  }
0x1b: {  	s9 =	sadd.s32 $0xFFFFFEF7, lr;
	s5 =	simm.s32 $0xFFFFFFFF;
	p2 =	slt.u32 s8, $0xFFFFF086  }
0x1c: {  	p1 =	slt.u32 s9, $0xF7A;
	s5 =	simm.s32 @!p2 $0x0  }
0x1d: {  	s5 =	simm.s32 @p1 $0x1;
	p0 =	seq.s32 s7, s2  }
0x1e: {  	s7 =	smul.u32 @!p0 $0xF7A, s2;
	p2 =	seq.s32 @!p0 s5, $0x0  }
0x1f: {  	s9 =	smul.u32 $0xF7A, s1;
	s8 =	simm.s32 @!p0 $0x1BF5;
	p2 =	por !p2, p0  }
0x20: {  	[sflag:s8] =	ssyncset.s32 @!p0 $0xFFFFF086;
	s6 =	sadd.s32 @!p0 s3, s7;
	s7 =	simm.s32 @!p0 $0x108  }
0x21: {  	s3 =	sadd.s32 s3, s9;
	s6 =	sadd.s32 @!p0 $0x88, s6;
	s7 =	simm.s32 @p2 $0x1082  }
0x22: {  	[simem:s7], [sflag:s8] =	dma.local @!p0 [hbm:s6], $0xF7A  }
0x23: {  	s9 =	sor.u32 $0xD0000000, s2;
	s6 =	simm.s32 $0x108;
	_ =	swait.ge @!p0 [sflag:s8], $0x0  }
0x24: {  	s3 =	sadd.s32 $0x88, s3;
	s6 =	simm.s32 @!p1 $0x1082;
	[sflag:s4] =	ssyncset.s32 $0xFFFFF086  }
0x25: {  	[simem:s6], [sflag:s4] =	dma.local [hbm:s3], $0xF7A  }
0x26: {  	[smem:$0x3F9F] =	sst s1;
	(tag) =	ssettag s2;
	_ =	strace s9  }
0x27: {  	s1 =	sld [smem:$0x3FAF]  }
0x28: {  	s2 =	sld [smem:$0x3FB0]  }
0x29: {  	s4 =	sld [smem:$0x3FB2]  }
0x2a: {  	p0 =	seq.s32 s5, $0x0;
	s5 =	sld [smem:$0x3FB3]  }
0x2b: {  	s6 =	sld [smem:$0x3FB4]  }
0x2c: {  	s7 =	sld [smem:$0x3FB5]  }
0x2d: {  	s3 =	simm.s32 $0x108;
	s8 =	sld [smem:$0x3FB6]  }
0x2e: {  	s3 =	simm.s32 @!p0 $0x1082;
	s9 =	sld [smem:$0x3FB7]  }
0x2f: {  	lr =	sadd.s32 s0, s3;
	s0 =	sld [smem:$0x3FAE]  }
0x30: {  	s3 =	sld [smem:$0x3FB1]  }
0x31: {  	[smem:$0x3FBA] =	sst s10  }
0x32: {  	s10 =	sld [smem:$0x3FB8];
	_ =	sdelay $0x3  }
0x33: {  	p0 =	seq.s32 s10, $0x1;
	s10 =	sld [smem:$0x3FBA];
	_ =	sdelay $0x3  }
0x34: {  	[smem:$0x3FBA] =	sst s10  }
0x35: {  	s10 =	sld [smem:$0x3FB9];
	_ =	sdelay $0x3  }
0x36: {  	p1 =	seq.s32 s10, $0x1;
	s10 =	sld [smem:$0x3FBA];
	_ =	sdelay $0x3  }
0x37: {  	[smem:$0x3FBA] =	sst s10  }
0x38: {  	s10 =	sld [smem:$0x3FBB]  }
0x39: {  	_ = 	snop;
	(pc) =	sbr.ind lr, $3  }
0x3a: {  	_ = 	snop  }
0x3b: {  	_ = 	snop  }
0x3c: {  	p2 =	seq.s32 s10, $0x1;
	s10 =	sld [smem:$0x3FBA]  }
0x3d: {  	_ =	shalt  }
0x3e: {  	_ =	shalt  }
0x3f: {  	_ =	shalt  }
0x40: {  	_ =	shalt  }
0x41: {  	_ =	shalt  }
0x42: {  	_ =	shalt  }
0x43: {  	_ =	shalt  }
0x44: {  	_ =	shalt  }
0x45: {  	_ =	shalt  }
0x46: {  	_ =	shalt  }
0x47: {  	_ =	shalt  }
0x48: {  	_ =	shalt  }
0x49: {  	_ =	shalt  }
0x4a: {  	_ =	shalt  }
0x4b: {  	_ =	shalt  }
0x4c: {  	_ =	shalt  }
0x4d: {  	_ =	shalt  }
0x4e: {  	_ =	shalt  }
0x4f: {  	_ =	shalt  }
0x50: {  	_ =	shalt  }
0x51: {  	_ =	shalt  }
0x52: {  	_ =	shalt  }
0x53: {  	_ =	shalt  }
0x54: {  	_ =	shalt  }
0x55: {  	_ =	shalt  }
0x56: {  	_ =	shalt  }
0x57: {  	_ =	shalt  }
0x58: {  	_ =	shalt  }
0x59: {  	_ =	shalt  }
0x5a: {  	_ =	shalt  }
0x5b: {  	_ =	shalt  }
0x5c: {  	_ =	shalt  }
0x5d: {  	_ =	shalt  }
0x5e: {  	_ =	shalt  }
0x5f: {  	_ =	shalt  }
0x60: {  	_ =	shalt  }
0x61: {  	_ =	shalt  }
0x62: {  	_ =	shalt  }
0x63: {  	_ =	shalt  }
0x64: {  	_ =	shalt  }
0x65: {  	_ =	shalt  }
0x66: {  	_ =	shalt  }
0x67: {  	_ =	shalt  }
0x68: {  	_ =	shalt  }
0x69: {  	_ =	shalt  }
0x6a: {  	_ =	shalt  }
0x6b: {  	_ =	shalt  }
0x6c: {  	_ =	shalt  }
0x6d: {  	_ =	shalt  }
0x6e: {  	_ =	shalt  }
0x6f: {  	_ =	shalt  }
0x70: {  	_ =	shalt  }
0x71: {  	_ =	shalt  }
0x72: {  	_ =	shalt  }
0x73: {  	_ =	shalt  }
0x74: {  	_ =	shalt  }
0x75: {  	_ =	shalt  }
0x76: {  	_ =	shalt  }
0x77: {  	_ =	shalt  }
0x78: {  	_ =	shalt  }
0x79: {  	_ =	shalt  }
0x7a: {  	_ =	shalt  }
0x7b: {  	_ =	shalt  }
0x7c: {  	_ =	shalt  }
0x7d: {  	_ =	shalt  }
0x7e: {  	_ =	shalt  }
0x7f: {  	_ =	shalt  }
0x80: {  	_ =	shalt  }
0x81: {  	_ =	shalt  }
0x82: {  	_ =	shalt  }
0x83: {  	_ =	shalt  }
0x84: {  	_ =	shalt  }
0x85: {  	_ =	shalt  }
0x86: {  	_ =	shalt  }
0x87: {  	_ =	shalt  }
.Lfunc_end0:
.L_simem_size_0:
called_computation.1_lowered:
.L_overlay_start_0:
0x88: {  	s2 =	sld [smem:$0x3FD9]  }
0x89: {  	s3 =	sld [smem:$0x3FFE];
	_ =	sdelay $0x1  }
0x8a: {  	s1 =	srdreg.scid  }
0x8b: {  	s0 =	sand.u32 $0x1, s1  }
0x8c: {  	s16 =	sshll.u32 s0, $0xA;
	s2 =	sadd.s32 s3, s2  }
0x8d: {  	s2 =	sadd.s32 s2, s16  }
0x8e: {  	[smem:$0x3FC6] =	sst s2  }
0x8f: {  	_ = 	snop  }
0x90: {  	(tm) =	ssettm $0x1  }
0x91: {  	s17 =	sld [smem:$0x3FFB];
	_ =	sdelay $0x3  }
0x92: {  	_ =	strace s17  }
0x93: {  	s2 =	sld [smem:$0x3FFC];
	_ =	sdelay $0x3  }
0x94: {  	_ =	strace s2  }
0x95: {  	s2 =	sld [smem:$0x3FFD];
	_ =	sdelay $0x3  }
0x96: {  	_ =	strace s2  }
0x97: {  	_ =	strace $0x8FFFFFFF  }
0x98: {  	s18 =	sld [smem:$0x3FDB];
	_ =	sdelay $0x1  }
0x99: {  	s19 =	simm.s32 $_scs_section_size  }
0x9a: {  	s4 =	simm.s32 $_size__tile_overlayer_lowered;
	s5 =	simm.s32 $_tile_overlayer_lowered  }
0x9b: {  	s22 =	simm.s32 $0x1BFF;
	s21 =	sshll.u32 s5, $0x1;
	s2 =	sadd.s32 s19, s18  }
0x9c: {  	s6 =	simm.s32 $0x0;
	s20 =	sshll.u32 s4, $0x1;
	s4 =	sadd.s32 s21, s2  }
0x9d: {  	[timem:s6], [sflag:s22] =	dma.local [hbm:s4], s20  }
0x9e: {  	_ =	swait.ge [sflag:s22], s20  }
0x9f: {  	s3 =	ssub.s32 $0x0, s20;
	[sflag:s22] =	ssyncset.done $0x0  }
0xa0: {  	[sflag:s22] =	ssyncadd.s32 s3;
	_ =	sdelay $0x1  }
0xa1: {  	s23 =	simm.s32 $0x1B8B  }
0xa2: {  	_ =	swait.ge [sflag:s23], $0x1  }
0xa3: {  	[sflag:s23] =	ssyncset.done $0x0  }
0xa4: {  	s25 =	simm.s32 $0x1B8E;
	s24 =	sld [smem:$0x3FFE];
	[sflag:s23] =	ssyncadd.s32 $0xFFFFFFFF  }
0xa5: {  	s26 =	simm.s32 $execute0_lowered;
	[smem:$0x3FD2] =	sst s25  }
0xa6: {  	s4 =	sshll.u32 s26, $0x1;
	_ =	strace $0x80000046;
	[dreg:$0x1] =	wrdreg $0xFFFFFFFF  }
0xa7: {  	s28 =	simm.s32 $_size_execute0_lowered;
	s2 =	sadd.s32 s2, s4;
	[dreg:$0x0] =	wrdreg $0x0  }
0xa8: {  	s4 =	sshll.u32 s28, $0x1;
	[dreg:$0x2] =	wrdreg s2  }
0xa9: {  	[dreg:$0x3] =	wrdreg s4  }
0xaa: {  	[dreg:$0x4] =	wrdreg $0xC0  }
0xab: {  	_ =	task [dreg:s6], $0x5FFFF  }
0xac: {  	[dreg:$0x1] =	wrdreg $0xFFFFFFFF  }
0xad: {  	[dreg:$0x0] =	wrdreg $0x60  }
0xae: {  	[dreg:$0x2] =	wrdreg s24  }
0xaf: {  	[dreg:$0x3] =	wrdreg $0x9  }
0xb0: {  	_ =	task.clear_ibuf [dreg:s6], $0x4FFFF;
	_ =	strace $0x90000046  }
0xb1: {  	s29 =	simm.s32 $0x9;
	_ =	strace $0x80000048  }
0xb2: {  	_ =	swait.ge [sflag:s29], $0x1  }
0xb3: {  	[sflag:s29] =	ssyncadd.s32 $0xFFFFFFFF  }
0xb4: {  	_ =	strace $0x90000048  }
0xb5: {  	_ =	sfence  }
0xb6: {  	s30 =	sld [smem:$0x0];
	_ =	sdelay $0x2  }
0xb7: {  	s31 =	sshll.u32 s1, $0xD;
	s1 =	sshrl.u32 s1, $0x2  }
0xb8: {  	s3 =	sand.u32 $0x4000, s31;
	s1 =	sadd.s32 s1, s30  }
0xb9: {  	s0 =	sor.u32 s3, s0;
	s1 =	sshll.u32 s1, $0x11  }
0xba: {  	s0 =	sor.u32 s1, s0  }
0xbb: {  	s0 =	sadd.s32 $0x8F2B, s0  }
0xbc: {  	[sflag:s0] =	ssyncadd.remote.s32 $0x1  }
0xbd: {  	_ =	sfence.sel $0xFFFF  }
0xbe: {  	[dreg:$0x0] =	wrdreg $0xFFFFFFFF;
	(pc) =	sbr.abs _section_cstart, $3  }
0xbf: {  	[dreg:$0x1] =	wrdreg $0xFFFFFFFF  }
0xc0: {  	_ =	task.clear_ibuf [dreg:s6], $0x2FFFF;
	_ =	strace $0x9FFFFFFF  }
0xc1: {  	(tm) =	ssettm $0x7FFFFFFF  }
tec
execute0_lowered:
.L_overlay_start_1:
0x0: {  	(tag) =	ssettag $0x1  }
0x1: {  	s8 =	rddreg [dreg:$0x0];
	s1 =	stileid.u32  }
0x2: {  	s2 =	srdreg.scid;
	s0 =	rddreg [dreg:$0x1]  }
0x3: {  	_ =	strace $0x80000047;
	s5 =	simm.s32 $0x1;
	s9 =	simm.s32 $0x1  }
0x4: {  	s10 =	simm.s32 $0x3;
	s2 =	sand.u32 $0x1, s2;
	s3 =	sshll.u32 s1, $0x1  }
0x5: {  	s13 =	simm.s32 $0x0;
	s12 =	simm.s32 $0x0;
	s6 =	sor.u32 s3, s2  }
0x6: {  	[sflag:s5] =	ssyncpa.u1 $0x0;
	s2 =	sadd.s32 $0x19A00, s8;
	s4 =	smul.u32 $0x5000, s6  }
0x7: {  	s3 =	sadd.s32 $0xA00, s8;
	p0 =	slt.u32 s6, $0x9;
	s6 =	simm.s32 $0xA0000  }
.Ltmp0:
0x8: {  	s6 =	simm.s32 @!p0 $0x0;
	s7 =	ssub.s32 $0xC8000, s4;
	(pc) =	sbr.rel .LBB2_1-.Ltmp0, $4  }
0x9: {  	s9 =	simm.s32 @!p0 $0x0;
	p0 =	sne.s32 s7, s6;
	s7 =	simm.s32 $0x1  }
0xa: {  	s8 =	sadd.s32 $0x38400, s8;
	s6 =	simm.s32 $0x2;
	s7 =	simm.s32 @!p0 $0x0  }
0xb: {  	s11 =	smov.u32 s4;
	[sflag:s6] =	ssyncpa.u1 $0x0;
	s7 =	sadd.s32 s9, s7  }
0xc: {  	vm0 =	vmmov $0xffff;
	[sflag:s10] =	ssyncpa.u1 $0x0;
	s10 =	simm.s32 $0x0;
	s9 =	sadd.s32 $0x1, s7  }
.LBB2_4:
0xd: {  	v2 =	vnsel vm1, $0x0, v2  }
0xe: {  	vm1 =	vgt.s32 v0, $0x0;
	v2 =	vmin.u32 v2, $0xF423F  }
0xf: {  	v0 =	vnsel vm1, $0x0, v0  }
0x10: {  	v0 =	vmin.u32 v0, $0xF423F  }
0x11: {  	[tilespmem:s18], [sflag:$0x1] =	stream.indirect_vreg.gather [hbm4b:s2+s10], $0x1, v1, vm0, $0x4038;
	[tilespmem:$0x14000] =	vst v63  }
0x12: {  	(ifvalue) =	ssetifvalue $0x7FFFFFFF  }
0x13: {  	[tilespmem:s15], [sflag:$0x1] =	stream.indirect_vreg.gather [hbm4b:s2+s10], $0x1, v2, vm0, $0x4038;
	[tilespmem:$0x14000] =	vst v63  }
0x14: {  	s29 =	sadd.s32 $0x10, s15;
	(ifvalue) =	ssetifvalue $0x7FFFFFFF  }
0x15: {  	[tilespmem:s29], [sflag:$0x1] =	stream.indirect_vreg.gather [hbm4b:s2+s10], $0x1, v0, vm0, $0x4038;
	[tilespmem:$0x14000] =	vst v63  }
0x16: {  	_ =	swait.ge [sflag:s5], $0x5000  }
0x17: {  	s30 =	sshrl.u32 s13, $0x3;
	[sflag:s5] =	ssyncset.done $0x0  }
0x18: {  	s31 =	sand.u32 $0x7, s13;
	s15 =	sadd.s32 s8, s30;
	[sflag:s5] =	ssyncadd.s32 $0xFFFFB000  }
0x19: {  	[hbm4b:s15+s31] =	stream.linear.scatter [tilespmem:s14], [sflag:$0x3], $0x5000, $0x38;
	[tilespmem:$0x14000] =	vst v63  }
.LBB2_5:
0x1a: {  	s15 =	sadd.s32 $0xA0000, s11  }
0x1b: {  	p1 =	sgt.s32 s15, $0xC7FFF  }
0x1c: {  	s15 =	smov.u32 @p1 s4;
	p1 =	sne.s32 s12, s9  }
.Ltmp1:
0x1d: {  	p0 =	slt.u32 s12, $0x2;
	(pc) =	sbr.rel @!p1 .LBB2_6-.Ltmp1, $4  }
0x1e: {  	s14 =	simm.s32 @!p0 $0x3  }
0x1f: {  	_ =	swait.ge @!p0 [sflag:s14], $0x5000  }
0x20: {  	s16 =	sadd.s32 $0x1, s12;
	s13 =	smov.u32 s11;
	[sflag:s14] =	ssyncset.done @!p0 $0x0  }
0x21: {  	s12 =	smov.u32 s16;
	s11 =	smov.u32 s15;
	[sflag:s14] =	ssyncadd.s32 @!p0 $0xFFFFB000  }
.LBB2_1:
0x22: {  	p0 =	sge.u32 s12, s7  }
0x23: {  	s14 =	sxor.u32 @!p0 $0x1, s12  }
0x24: {  	s14 =	smul.u32 @!p0 $0x14000, s14  }
0x25: {  	s31 =	sadd.s32 $0xFFFFFFFF, s12;
	s15 =	sshrl.u32 @!p0 s11, $0x3  }
0x26: {  	s16 =	sand.u32 @!p0 $0x7, s11;
	s15 =	sadd.s32 @!p0 s3, s15;
	s14 =	sshra.s32 @!p0 s14, $0x2  }
0x27: {  	[tilespmem:s14], [sflag:$0x2] =	stream.linear.gather @!p0 [hbm4b:s15+s16], $0x5000, $0x38;
	[tilespmem:$0x14000] =	vst v63  }
0x28: {  	p0 =	sge.u32 s31, s7  }
.Ltmp2:
0x29: {  	_ = 	snop;
	(pc) =	sbr.rel @p0 .LBB2_5-.Ltmp2, $1  }
0x2a: {  	_ =	sdelay $0x3  }
0x2b: {  	s14 =	sand.u32 $0x1, s12  }
0x2c: {  	_ =	swait.ge [sflag:s6], $0x5000;
	p0 =	seq.s32 s14, $0x1;
	s14 =	simm.s32 $0x5000  }
0x2d: {  	[sflag:s6] =	ssyncset.done $0x0;
	s14 =	simm.s32 @!p0 $0x0  }
0x2e: {  	[sflag:s6] =	ssyncadd.s32 $0xFFFFB000;
	(ifvalue) =	ssetifvalue $0x7FFFFFFF;
	v0 =	vld.msk [tilespmem:s14+$0x0 ss:$0x1], $0xffff;
	_ =	sdelay $0x4  }
0x2f: {  	s15 =	sadd.s32 $0x10, s14;
	vm1 =	vgt.s32 v0, $0x0  }
0x30: {  	v2 =	vld.msk [tilespmem:s15+$0x0 ss:$0x1], $0xffff;
	v1 =	vnsel vm1, $0x0, v0  }
0x31: {  	v1 =	vmin.u32 v1, $0xF423F;
	_ =	sdelay $0x2  }
0x32: {  	s17 =	simm.s32 $0x20;
	s14 =	sor.u32 $0xA000, s14;
	s16 =	sadd.s32 $0x10, s15  }
0x33: {  	s15 =	sadd.s32 $0x10, s14;
	s18 =	smov.u32 s14;
	v0 =	vld.msk [tilespmem:s16+$0x0 ss:$0x1], $0xffff;
	vm1 =	vgt.s32 v2, $0x0;
	(ifvalue) =	ssetifvalue $0x7FFFFFFF  }
.LBB2_3:
0x34: {  	[tilespmem:s18], [sflag:$0x1] =	stream.indirect_vreg.gather [hbm4b:s2+s10], $0x1, v1, vm0, $0x4038;
	[tilespmem:$0x14000] =	vst v63  }
0x35: {  	s17 =	sadd.s32 $0x10, s17  }
0x36: {  	v2 =	vnsel vm1, $0x0, v2;
	p0 =	slt.u32 s17, $0x4FF0  }
.Ltmp3:
0x37: {  	s18 =	smov.u32 s15;
	v1 =	vmin.u32 v2, $0xF423F;
	(pc) =	sbr.rel @p0 .LBB2_3-.Ltmp3, $3  }
0x38: {  	_ =	sdelay $0x1  }
0x39: {  	s16 =	sadd.s32 $0x10, s16  }
0x3a: {  	vm1 =	vgt.s32 v0, $0x0;
	s15 =	sadd.s32 $0x10, s15;
	v2 =	vmov v0;
	(ifvalue) =	ssetifvalue $0x7FFFFFFF;
	v0 =	vld.msk [tilespmem:s16+$0x0 ss:$0x1], $0xffff  }
.Ltmp4:
0x3b: {  	_ = 	snop;
	(pc) =	sbr.rel .LBB2_4-.Ltmp4, $1  }
0x3c: {  	_ =	sdelay $0x3  }
.LBB2_6:
0x3d: {  	_ =	sfence.sel $0x180000  }
0x3e: {  	s2 =	simm.s32 $0x2;
	[bflag:$0x0] =	sbarrier.arrive $0xFFFF  }
0x3f: {  	s30 =	simm.s32 $0x3;
	[sflag:s2] =	ssyncpa.u1 $0x1  }
0x40: {  	s31 =	simm.s32 $0x1;
	[sflag:s30] =	ssyncpa.u1 $0x1  }
0x41: {  	[sflag:s31] =	ssyncpa.u1 $0x1  }
0x42: {  	p0 =	sne.s32 s1, $0x0;
	_ =	strace $0x90000047  }
0x43: {  	s0 =	sadd.s32 @!p0 $0x100000, s0;
	[bflag:$0x2] =	sbarrier.arrive $0xFFFF  }
0x44: {  	[sflag:s0] =	ssyncadd.tile.s32 @!p0 $0x1;
	_ =	shalt  }
.Lfunc_end2:
_tile_overlayer_lowered:
.L_overlay_start_2:
0x45: {  	(tag) =	ssettag $0x2  }
0x46: {  	s0 =	rddreg [dreg:$0x0];
	s2 =	stileid.u32  }
0x47: {  	s1 =	rddreg [dreg:$0x1];
	p0 =	sne.s32 s2, $0x0  }
0x48: {  	s3 =	rddreg [dreg:$0x2];
	[bflag:$0x3] =	sbarrier.arrive $0xFFFF;
	s2 =	simm.s32 @!p0 $0x1C01  }
0x49: {  	[timem:s3], [sflag:s2] =	dma.local @!p0 [hbm:s0], s1  }
0x4a: {  	s0 =	simm.s32 @!p0 $0x1  }
0x4b: {  	_ =	swait.ge @!p0 [sflag:s0], s1  }
0x4c: {  	s1 =	ssub.s32 @!p0 $0x0, s1;
	[sflag:s0] =	ssyncset.done @!p0 $0x0  }
0x4d: {  	[sflag:s0] =	ssyncadd.s32 @!p0 s1  }
0x4e: {  	[bflag:$0x3] =	sbarrier.arrive $0xFFFF  }
0x4f: {  	_ =	shalt  }

// kernel: sparse-core-data-format-call.cloned.1.call-start
scs
called_computation_lowered:
.L_overlay_start_0:
0x0: {  	s2 =	sld [smem:$0x3FD9]  }
0x1: {  	s3 =	sld [smem:$0x3FFE];
	_ =	sdelay $0x1  }
0x2: {  	s1 =	srdreg.scid  }
0x3: {  	s0 =	sand.u32 $0x1, s1  }
0x4: {  	s18 =	sshll.u32 s0, $0xA;
	s2 =	sadd.s32 s3, s2  }
0x5: {  	s2 =	sadd.s32 s2, s18  }
0x6: {  	[smem:$0x3FC6] =	sst s2  }
0x7: {  	_ = 	snop  }
0x8: {  	s2 =	sld [smem:$0x3FD0];
	(tm) =	ssettm $0x1  }
0x9: {  	s19 =	sld [smem:$0x3FFB];
	_ =	sdelay $0x3  }
0xa: {  	_ =	strace s19  }
0xb: {  	s3 =	sld [smem:$0x3FFC];
	_ =	sdelay $0x3  }
0xc: {  	_ =	strace s3  }
0xd: {  	s3 =	sld [smem:$0x3FFD];
	_ =	sdelay $0x3  }
0xe: {  	_ =	strace s3  }
0xf: {  	_ =	strace $0x8FFFFFFF  }
0x10: {  	s20 =	sld [smem:$0x3FDB];
	_ =	sdelay $0x1  }
0x11: {  	s4 =	simm.s32 $_scs_section_size  }
0x12: {  	s5 =	simm.s32 $_size__tile_overlayer_lowered;
	s6 =	simm.s32 $_tile_overlayer_lowered  }
0x13: {  	s23 =	simm.s32 $0x1BFF;
	s22 =	sshll.u32 s6, $0x1;
	s3 =	sadd.s32 s4, s20  }
0x14: {  	s7 =	simm.s32 $0x0;
	s21 =	sshll.u32 s5, $0x1;
	s5 =	sadd.s32 s22, s3  }
0x15: {  	[timem:s7], [sflag:s23] =	dma.local [hbm:s5], s21  }
0x16: {  	_ =	swait.ge [sflag:s23], s21  }
0x17: {  	s4 =	ssub.s32 $0x0, s21;
	[sflag:s23] =	ssyncset.done $0x0  }
0x18: {  	[sflag:s23] =	ssyncadd.s32 s4;
	_ =	sdelay $0x1  }
0x19: {  	s24 =	simm.s32 $0x1B8B  }
0x1a: {  	_ =	swait.ge [sflag:s24], $0x1  }
0x1b: {  	[sflag:s24] =	ssyncset.done $0x0  }
0x1c: {  	s26 =	simm.s32 $0x1B8E;
	s25 =	sld [smem:$0x3FFE];
	[sflag:s24] =	ssyncadd.s32 $0xFFFFFFFF  }
0x1d: {  	s27 =	simm.s32 $execute0_lowered;
	[smem:$0x3FD2] =	sst s26  }
0x1e: {  	s5 =	sshll.u32 s27, $0x1;
	_ =	strace $0x80000049;
	[dreg:$0x1] =	wrdreg $0xFFFFFFFF  }
0x1f: {  	s28 =	simm.s32 $_size_execute0_lowered;
	s3 =	sadd.s32 s3, s5;
	[dreg:$0x0] =	wrdreg $0x0  }
0x20: {  	s5 =	sshll.u32 s28, $0x1;
	[dreg:$0x2] =	wrdreg s3  }
0x21: {  	[dreg:$0x3] =	wrdreg s5  }
0x22: {  	[dreg:$0x4] =	wrdreg $0xC0  }
0x23: {  	_ =	task [dreg:s7], $0x5FFFF  }
0x24: {  	[dreg:$0x1] =	wrdreg $0xFFFFFFFF  }
0x25: {  	[dreg:$0x0] =	wrdreg $0x60  }
0x26: {  	[dreg:$0x2] =	wrdreg s25  }
0x27: {  	[dreg:$0x3] =	wrdreg s2  }
0x28: {  	[dreg:$0x4] =	wrdreg $0x9  }
0x29: {  	_ =	task.clear_ibuf [dreg:s7], $0x5FFFF;
	_ =	strace $0x90000049  }
0x2a: {  	s29 =	simm.s32 $0x9;
	_ =	strace $0x8000004B  }
0x2b: {  	_ =	swait.ge [sflag:s29], $0x1  }
0x2c: {  	[sflag:s29] =	ssyncadd.s32 $0xFFFFFFFF  }
0x2d: {  	_ =	strace $0x9000004B  }
0x2e: {  	_ =	sfence  }
0x2f: {  	s30 =	sld [smem:$0x0];
	_ =	sdelay $0x2  }
0x30: {  	s31 =	sshll.u32 s1, $0xD;
	s1 =	sshrl.u32 s1, $0x2  }
0x31: {  	s3 =	sand.u32 $0x4000, s31;
	s1 =	sadd.s32 s1, s30  }
0x32: {  	s0 =	sor.u32 s3, s0;
	s1 =	sshll.u32 s1, $0x11  }
0x33: {  	s0 =	sor.u32 s1, s0  }
0x34: {  	s0 =	sadd.s32 $0x8F2B, s0  }
0x35: {  	[sflag:s0] =	ssyncadd.remote.s32 $0x1  }
0x36: {  	_ =	sfence.sel $0xFFFF  }
0x37: {  	[dreg:$0x0] =	wrdreg $0xFFFFFFFF;
	(pc) =	sbr.abs _section_cstart, $3  }
0x38: {  	[dreg:$0x1] =	wrdreg $0xFFFFFFFF  }
0x39: {  	_ =	task.clear_ibuf [dreg:s7], $0x2FFFF;
	_ =	strace $0x9FFFFFFF  }
0x3a: {  	(tm) =	ssettm $0x7FFFFFFF  }
0x3b: {  	_ =	shalt  }
tec
execute0_lowered:
.L_overlay_start_1:
0x0: {  	(tag) =	ssettag $0x1  }
0x1: {  	s0 =	srdreg.scid  }
0x2: {  	s1 =	sshll.u32 s0, $0x4  }
0x3: {  	s0 =	stileid.u32;
	s1 =	sand.u32 $0x10, s1  }
0x4: {  	s1 =	sor.u32 s0, s1  }
0x5: {  	s6 =	rddreg [dreg:$0x0];
	s4 =	simm.s32 $0x1;
	s2 =	sshll.u32 s1, $0x7  }
0x6: {  	s7 =	simm.s32 $0x2;
	s12 =	simm.s32 $0x0;
	s1 =	ssub.s32 $0x1000, s2  }
0x7: {  	s8 =	simm.s32 $0x8000;
	s13 =	simm.s32 $0x0;
	s3 =	sand.u32 $0xF80, s1  }
0x8: {  	s9 =	simm.s32 $0x0;
	s5 =	sshrl.u32 s1, $0xC;
	p0 =	sne.s32 s3, $0x0  }
.Ltmp0:
0x9: {  	s1 =	rddreg [dreg:$0x2];
	s4 =	simm.s32 @!p0 $0x0;
	(pc) =	sbr.rel .LBB1_1-.Ltmp0, $4  }
0xa: {  	s11 =	simm.s32 $0x0;
	s3 =	rddreg [dreg:$0x1];
	s5 =	sadd.s32 s4, s5  }
0xb: {  	_ =	strace $0x8000004A;
	s4 =	simm.s32 $0x1;
	s5 =	smul.u32 $0xC8, s5  }
0xc: {  	s6 =	sadd.s32 $0x640A00, s6;
	s10 =	smov.u32 s2;
	[sflag:s4] =	ssyncpa.u1 $0x0  }
0xd: {  	p0 =	por $0x0, $0x0;
	[sflag:s7] =	ssyncpa.u1 $0x0;
	s7 =	sor.u32 $0x1, s5  }
.LBB1_4:
0xe: {  	s16 =	sshll.u32 s13, $0x3;
	s17 =	sand.u32 $0x78, s13  }
0xf: {  	s30 =	sand.u32 $0x7E00, s13;
	s12 =	sshll.u32 s12, $0xF;
	s16 =	sand.u32 $0xC00, s16  }
0x10: {  	[tilespmem:s15+$0x810 ss:$0x81] =	vst.msk $0xffff, v2;
	s31 =	sand.u32 $0x7, s13;
	s16 =	sor.u32 s17, s16;
	s17 =	sadd.s32 s3, s30  }
0x11: {  	[tilespmem:s15+$0x1020 ss:$0x81] =	vst.msk $0xffff, v0;
	s13 =	sshll.u32 s31, $0x12;
	s12 =	sadd.s32 s12, s17;
	s16 =	sshrl.u32 s16, $0x3  }
0x12: {  	[tilespmem:s15+$0x0 ss:$0x81] =	vst.msk $0xffff, v1;
	s13 =	sor.u32 $0x400, s13;
	s12 =	sadd.s32 s16, s12  }
0x13: {  	[hbm4b:s12+s13] =	stream.strided.scatter [tilespmem:s14], [sflag:$0x2], $0x2000, s8, s13, $0x20;
	[tilespmem:$0x8080] =	vst v63  }
.LBB1_5:
0x14: {  	s14 =	sadd.s32 $0x1, s9  }
0x15: {  	s12 =	sadd.s32 $0x1000, s10;
	s16 =	smov.u32 s10;
	p2 =	sgt.s32 s14, $0xC7  }
0x16: {  	s16 =	smov.u32 @p2 s12  }
0x17: {  	s14 =	simm.s32 @p2 $0x0;
	p2 =	sgt.s32 s16, $0xFFF  }
0x18: {  	s16 =	smov.u32 @p2 s2;
	p2 =	sne.s32 s11, s7  }
.Ltmp1:
0x19: {  	p1 =	slt.u32 s11, $0x2;
	(pc) =	sbr.rel @!p2 .LBB1_6-.Ltmp1, $4  }
0x1a: {  	s15 =	simm.s32 @!p1 $0x2  }
0x1b: {  	s13 =	smov.u32 s10;
	p0 =	por !p0, !p0;
	_ =	swait.ge @!p1 [sflag:s15], $0x2000  }
0x1c: {  	s12 =	smov.u32 s9;
	[sflag:s15] =	ssyncset.done @!p1 $0x0;
	s9 =	smov.u32 s14  }
0x1d: {  	s11 =	sadd.s32 $0x1, s11;
	[sflag:s15] =	ssyncadd.s32 @!p1 $0xFFFFE000;
	s10 =	smov.u32 s16  }
.LBB1_1:
0x1e: {  	p1 =	sge.u32 s11, s5  }
0x1f: {  	s14 =	sand.u32 @!p1 $0x1FFFFFF, s9  }
0x20: {  	s15 =	smulhi.u32 @!p1 $0x147AE15, s14;
	_ =	sdelay $0x1  }
0x21: {  	s15 =	smul.u32 @!p1 $0xC8, s15  }
0x22: {  	s16 =	sxor.u32 @!p1 $0xFFFFFFFF, s11;
	s17 =	smul.u32 @!p1 $0xC80, s10  }
0x23: {  	s31 =	sadd.s32 $0xFFFFFFFF, s11;
	s16 =	sshll.u32 @!p1 s16, $0xD;
	s14 =	ssub.s32 @!p1 s14, s15  }
0x24: {  	s15 =	sand.u32 @!p1 $0x2000, s16;
	s16 =	sadd.s32 @!p1 s6, s17;
	s14 =	sshll.u32 @!p1 s14, $0x4  }
0x25: {  	s17 =	simm.s32 @!p1 $0x6400;
	s14 =	sadd.s32 @!p1 s14, s16;
	s16 =	simm.s32 @!p1 $0x40  }
0x26: {  	[tilespmem:s15], [sflag:$0x1] =	stream.strided.gather @!p1 [hbm4b:s14+s16], $0x2000, s17, s16, $0x38;
	[tilespmem:$0x8080] =	vst v63  }
0x27: {  	p1 =	sge.u32 s31, s5  }
.Ltmp2:
0x28: {  	_ = 	snop;
	(pc) =	sbr.rel @p1 .LBB1_5-.Ltmp2, $1  }
0x29: {  	_ =	sdelay $0x3  }
0x2a: {  	s14 =	simm.s32 $0x1  }
0x2b: {  	_ =	swait.ge [sflag:s4], $0x2000;
	s14 =	simm.s32 @!p0 $0x0  }
0x2c: {  	[sflag:s4] =	ssyncset.done $0x0;
	s15 =	sshll.u32 s14, $0xD  }
0x2d: {  	[sflag:s4] =	ssyncadd.s32 $0xFFFFE000;
	s18 =	sor.u32 $0x20, s15  }
0x2e: {  	s14 =	smul.u32 $0x8100, s14;
	v3 =	vld [tilespmem:s18+$0x10]  }
0x2f: {  	s30 =	sand.u32 $0x1, s11;
	v2 =	vld [tilespmem:s18+$0xFFFFFFF0]  }
0x30: {  	s15 =	smul.u32 $0x8100, s30;
	s14 =	sshrl.u32 s14, $0x2;
	v0 =	vld [tilespmem:s18+$0x0]  }
0x31: {  	v1 =	vld [tilespmem:s18+$0xFFFFFFE0];
	s16 =	sor.u32 $0x4000, s14  }
0x32: {  	s31 =	sshrl.u32 s15, $0x2;
	s15 =	sadd.s32 $0x0, s16  }
0x33: {  	s17 =	simm.s32 $0x4;
	s18 =	sadd.s32 $0x40, s18;
	s14 =	sor.u32 $0x4000, s31;
	[tilespmem:s15+$0x1830 ss:$0x81] =	vst.msk $0xffff, v3  }
.LBB1_3:
0x34: {  	v3 =	vld [tilespmem:s18+$0x10];
	p1 =	sne.s32 s17, $0x1FC;
	[tilespmem:s15+$0x810 ss:$0x81] =	vst.msk $0xffff, v2;
	s19 =	smov.u32 s17;
	s17 =	sadd.s32 $0x4, s17  }
.Ltmp3:
0x35: {  	v2 =	vld [tilespmem:s18+$0xFFFFFFF0];
	[tilespmem:s15+$0x1020 ss:$0x81] =	vst.msk $0xffff, v0;
	(pc) =	sbr.rel @p1 .LBB1_3-.Ltmp3, $4  }
0x36: {  	v0 =	vld [tilespmem:s18+$0x0];
	[tilespmem:s15+$0x0 ss:$0x81] =	vst.msk $0xffff, v1  }
0x37: {  	s15 =	sshra.s32 s19, $0x2;
	v1 =	vld [tilespmem:s18+$0xFFFFFFE0]  }
0x38: {  	s15 =	sadd.s32 s15, s16  }
0x39: {  	s18 =	sadd.s32 $0x40, s18;
	[tilespmem:s15+$0x1830 ss:$0x81] =	vst.msk $0xffff, v3  }
.Ltmp4:
0x3a: {  	_ = 	snop;
	(pc) =	sbr.rel .LBB1_4-.Ltmp4, $1  }
0x3b: {  	_ =	sdelay $0x3  }
.LBB1_6:
0x3c: {  	_ =	sfence.sel $0x180000  }
0x3d: {  	s2 =	simm.s32 $0x1;
	[bflag:$0x0] =	sbarrier.arrive $0xFFFF  }
0x3e: {  	s31 =	simm.s32 $0x2;
	[sflag:s2] =	ssyncpa.u1 $0x1  }
0x3f: {  	[sflag:s31] =	ssyncpa.u1 $0x1  }
0x40: {  	p0 =	sne.s32 s0, $0x0;
	_ =	strace $0x9000004A  }
0x41: {  	s0 =	sadd.s32 @!p0 $0x100000, s1;
	[bflag:$0x2] =	sbarrier.arrive $0xFFFF  }
0x42: {  	[sflag:s0] =	ssyncadd.tile.s32 @!p0 $0x1;
	_ =	shalt  }
.Lfunc_end1:
_tile_overlayer_lowered:
.L_overlay_start_2:
0x43: {  	(tag) =	ssettag $0x2  }
0x44: {  	s0 =	rddreg [dreg:$0x0];
	s2 =	stileid.u32  }
0x45: {  	s1 =	rddreg [dreg:$0x1];
	p0 =	sne.s32 s2, $0x0  }
0x46: {  	s3 =	rddreg [dreg:$0x2];
	[bflag:$0x3] =	sbarrier.arrive $0xFFFF;
	s2 =	simm.s32 @!p0 $0x1C01  }
0x47: {  	[timem:s3], [sflag:s2] =	dma.local @!p0 [hbm:s0], s1  }
0x48: {  	s0 =	simm.s32 @!p0 $0x1  }
0x49: {  	_ =	swait.ge @!p0 [sflag:s0], s1  }
0x4a: {  	s1 =	ssub.s32 @!p0 $0x0, s1;
	[sflag:s0] =	ssyncset.done @!p0 $0x0  }
0x4b: {  	[sflag:s0] =	ssyncadd.s32 @!p0 s1  }
0x4c: {  	[bflag:$0x3] =	sbarrier.arrive $0xFFFF  }
0x4d: {  	_ =	shalt  }

</sc_bundles>
